<compile_context>
chip_gen: v7x
topology: tpu7x:2x2x1
jax: 0.10.2.dev20260603
libtpu: 0.0.44.dev20260713+nightly
codegen_flags: <defaults>
</compile_context>

<pallas_src>
import functools

import jax
import jax.numpy as jnp
from jax import lax
from jax.experimental import pallas as pl
from jax.experimental.pallas import tpu as pltpu
from jax.experimental.pallas import tpu_sc as plsc

NC = 2
NS = 16
NW = NC * NS

CHUNK = 128
NBUF = 5
LA = 3


def _body(nchunks, x_hbm, table_hbm, out_hbm, idx_v, rows, gsems, wsems):
  wid = lax.axis_index("s") * NC + lax.axis_index("c")
  base = wid * nchunks
  pltpu.sync_copy(x_hbm.at[wid], idx_v)

  def gather_start(c, slot):
    pltpu.async_copy(table_hbm.at[idx_v.at[c]], rows[slot], gsems[slot])

  def gather_wait(c, slot):
    pltpu.make_async_copy(
        table_hbm.at[idx_v.at[c]], rows[slot], gsems[slot]).wait()

  def write_start(c, slot):
    pltpu.async_copy(rows[slot], out_hbm.at[base + c], wsems[slot])

  def write_wait(slot):
    pltpu.make_async_copy(rows[slot], out_hbm.at[base], wsems[slot]).wait()

  for c in range(LA):
    gather_start(c, c % NBUF)

  def step(o, carry):
    for sl in range(NBUF):
      c = o * NBUF + sl
      gslot = (sl + LA) % NBUF

      @pl.when(c + LA < nchunks)
      def _():
        @pl.when(c + LA >= NBUF)
        def _():
          write_wait(gslot)
        gather_start(c + LA, gslot)

      gather_wait(c, sl)
      write_start(c, sl)
    return carry

  lax.fori_loop(0, nchunks // NBUF, step, 0, unroll=False)

  for sl in range(NBUF):
    write_wait(sl)


def kernel(x, table):
  B, S = x.shape
  V, D = table.shape
  n = B * S
  assert n % (NW * CHUNK) == 0 and D == CHUNK and B % CHUNK == 0
  nchunks = n // (NW * CHUNK)
  assert nchunks % NBUF == 0

  xs = x.T.reshape(NW, nchunks, CHUNK).astype(jnp.int32)

  mesh = plsc.VectorSubcoreMesh(core_axis_name="c", subcore_axis_name="s")
  k = pl.kernel(
      functools.partial(_body, nchunks),
      out_type=jax.ShapeDtypeStruct((n // CHUNK, CHUNK, D), jnp.float32),
      mesh=mesh,
      scratch_types=[
          pltpu.VMEM((nchunks, CHUNK), jnp.int32),
          [pltpu.VMEM((CHUNK, D), jnp.float32) for _ in range(NBUF)],
          [pltpu.SemaphoreType.DMA for _ in range(NBUF)],
          [pltpu.SemaphoreType.DMA for _ in range(NBUF)],
      ],
  )
  out = k(xs, table)
  return out.reshape(S, B, D).transpose(1, 0, 2)

# --- scband reference (transcript-rebuilt; emitter-appended) ---
"""Pipeline reference for scband-embedder-45784351375685 (READ-ONLY COPY).

The authoritative reference and input builder live on the scoring server;
editing this copy changes nothing except your own understanding.
"""

import jax, jax.numpy as jnp
import numpy as np

VOCAB = 100000
EMBED_DIM = 128

def setup_inputs(seed: int = 0) -> dict:
    key = jax.random.key(seed)
    k1, k2 = jax.random.split(key)
    x = jax.random.randint(k1, (4096, 50), 0, VOCAB, dtype=jnp.int64 if jax.config.jax_enable_x64 else jnp.int32)
    table = jax.random.normal(k2, (VOCAB, EMBED_DIM), dtype=jnp.float32)
    return {"x": x, "table": table}

def reference(x, table):
    # nn.Embedding forward: row gather from the embedding table
    return jnp.take(table, x, axis=0)

if __name__ == "__main__":
    import jax
    _d = setup_inputs()
    print(jax.jit(kernel)(*tuple(_d.values())))

</pallas_src>

<mosaic_0001>
#map = affine_map<(d0, d1) -> (0, 0, 0)>
#map1 = affine_map<(d0, d1) -> (0, 0)>
module attributes {stable_mosaic.version = 14 : i64} {
  func.func @_body(%arg0: i32, %arg1: i32, %arg2: memref<32x50x128xi32, #tpu.memory_space<hbm>>, %arg3: memref<100000x128xf32, #tpu.memory_space<hbm>>, %arg4: memref<1600x128x128xf32, #tpu.memory_space<hbm>>, %arg5: memref<50x128xi32, #tpu.memory_space<vmem>>, %arg6: memref<128x128xf32, #tpu.memory_space<vmem>>, %arg7: memref<128x128xf32, #tpu.memory_space<vmem>>, %arg8: memref<128x128xf32, #tpu.memory_space<vmem>>, %arg9: memref<128x128xf32, #tpu.memory_space<vmem>>, %arg10: memref<128x128xf32, #tpu.memory_space<vmem>>, %arg11: memref<!tpu.dma_semaphore, #tpu.memory_space<semaphore_mem>>, %arg12: memref<!tpu.dma_semaphore, #tpu.memory_space<semaphore_mem>>, %arg13: memref<!tpu.dma_semaphore, #tpu.memory_space<semaphore_mem>>, %arg14: memref<!tpu.dma_semaphore, #tpu.memory_space<semaphore_mem>>, %arg15: memref<!tpu.dma_semaphore, #tpu.memory_space<semaphore_mem>>, %arg16: memref<!tpu.dma_semaphore, #tpu.memory_space<semaphore_mem>>, %arg17: memref<!tpu.dma_semaphore, #tpu.memory_space<semaphore_mem>>, %arg18: memref<!tpu.dma_semaphore, #tpu.memory_space<semaphore_mem>>, %arg19: memref<!tpu.dma_semaphore, #tpu.memory_space<semaphore_mem>>, %arg20: memref<!tpu.dma_semaphore, #tpu.memory_space<semaphore_mem>>) attributes {dimension_semantics = [#tpu.dimension_semantics<core_parallel>, #tpu.dimension_semantics<subcore_parallel>], iteration_bounds = array<i64: 2, 16>, scalar_prefetch = 0 : i64, scratch_operands = 16 : i64, tpu.core_type = #tpu.core_type<sc_vector_subcore>, window_params = [{transform_indices = #map}, {transform_indices = #map1}, {transform_indices = #map}]} {
    %mul3A = arith.constant 2 : i32
    %mul3A_0 = arith.muli %arg1, %mul3A : i32
    %add3A = arith.addi %mul3A_0, %arg0 : i32
    %mul3A_1 = arith.constant 50 : i32
    %mul3A_2 = arith.muli %add3A, %mul3A_1 : i32
    "tpu.region"() ({
      %run_scoped3A = tpu.sem_alloc : memref<!tpu.dma_semaphore, #tpu.memory_space<semaphore_mem>>
      %dma_start3A_67 = arith.constant 0 : i32
      %dma_start3A_68 = arith.constant 0 : i32
      %dma_start3A_69 = tpu.memref_slice %arg2[%add3A, %dma_start3A_67, %dma_start3A_68] : memref<32x50x128xi32, #tpu.memory_space<hbm>> -> memref<1x50x128xi32, #tpu.memory_space<hbm>>
      %dma_start3A_70 = tpu.memref_squeeze %dma_start3A_69 : memref<1x50x128xi32, #tpu.memory_space<hbm>> -> memref<50x128xi32, #tpu.memory_space<hbm>>
      %dma_start3A_71 = arith.constant 0 : i32
      %dma_start3A_72 = arith.constant 0 : i32
      %dma_start3A_73 = tpu.memref_slice %arg2[%add3A, %dma_start3A_71, %dma_start3A_72] : memref<32x50x128xi32, #tpu.memory_space<hbm>> -> memref<1x50x128xi32, #tpu.memory_space<hbm>>
      %dma_start3A_74 = tpu.memref_squeeze %dma_start3A_73 : memref<1x50x128xi32, #tpu.memory_space<hbm>> -> memref<50x128xi32, #tpu.memory_space<hbm>>
      tpu.enqueue_dma source(%dma_start3A_74 : memref<50x128xi32, #tpu.memory_space<hbm>>) target(%arg5 : memref<50x128xi32, #tpu.memory_space<vmem>>) target_semaphore(%run_scoped3A : memref<!tpu.dma_semaphore, #tpu.memory_space<semaphore_mem>>)
      %dma_wait3A_75 = arith.constant 0 : i32
      %dma_wait3A_76 = arith.constant 0 : i32
      %dma_wait3A_77 = tpu.memref_slice %arg2[%add3A, %dma_wait3A_75, %dma_wait3A_76] : memref<32x50x128xi32, #tpu.memory_space<hbm>> -> memref<1x50x128xi32, #tpu.memory_space<hbm>>
      %dma_wait3A_78 = tpu.memref_squeeze %dma_wait3A_77 : memref<1x50x128xi32, #tpu.memory_space<hbm>> -> memref<50x128xi32, #tpu.memory_space<hbm>>
      %dma_wait3A_79 = arith.constant 0 : i32
      %dma_wait3A_80 = arith.constant 0 : i32
      %dma_wait3A_81 = tpu.memref_slice %arg2[%add3A, %dma_wait3A_79, %dma_wait3A_80] : memref<32x50x128xi32, #tpu.memory_space<hbm>> -> memref<1x50x128xi32, #tpu.memory_space<hbm>>
      %dma_wait3A_82 = tpu.memref_squeeze %dma_wait3A_81 : memref<1x50x128xi32, #tpu.memory_space<hbm>> -> memref<50x128xi32, #tpu.memory_space<hbm>>
      tpu.wait_dma2 semaphore(%run_scoped3A : memref<!tpu.dma_semaphore, #tpu.memory_space<semaphore_mem>>) src(%dma_wait3A_82 : memref<50x128xi32, #tpu.memory_space<hbm>>) dst(%arg5 : memref<50x128xi32, #tpu.memory_space<vmem>>)
      tpu.yield
    }) : () -> ()
    %dma_start3A = arith.constant 0 : i32
    %dma_start3A_3 = arith.constant 0 : i32
    %dma_start3A_4 = tpu.memref_slice %arg5[%dma_start3A, %dma_start3A_3] : memref<50x128xi32, #tpu.memory_space<vmem>> -> memref<1x128xi32, #tpu.memory_space<vmem>>
    %dma_start3A_5 = tpu.memref_squeeze %dma_start3A_4 : memref<1x128xi32, #tpu.memory_space<vmem>> -> memref<128xi32, #tpu.memory_space<vmem>>
    %dma_start3A_6 = arith.constant 0 : i32
    %dma_start3A_7 = arith.constant 0 : i32
    %dma_start3A_8 = tpu.memref_slice %arg3[%dma_start3A_6, %dma_start3A_7] : memref<100000x128xf32, #tpu.memory_space<hbm>> -> memref<100000x128xf32, #tpu.memory_space<hbm>>
    tpu.enqueue_indirect_dma source(%dma_start3A_8 : memref<100000x128xf32, #tpu.memory_space<hbm>>) target(%arg6 : memref<128x128xf32, #tpu.memory_space<vmem>>) offsets(%dma_start3A_5 : memref<128xi32, #tpu.memory_space<vmem>>) semaphore(%arg11 : memref<!tpu.dma_semaphore, #tpu.memory_space<semaphore_mem>>)
    %dma_start3A_9 = arith.constant 1 : i32
    %dma_start3A_10 = arith.constant 0 : i32
    %dma_start3A_11 = tpu.memref_slice %arg5[%dma_start3A_9, %dma_start3A_10] : memref<50x128xi32, #tpu.memory_space<vmem>> -> memref<1x128xi32, #tpu.memory_space<vmem>>
    %dma_start3A_12 = tpu.memref_squeeze %dma_start3A_11 : memref<1x128xi32, #tpu.memory_space<vmem>> -> memref<128xi32, #tpu.memory_space<vmem>>
    %dma_start3A_13 = arith.constant 0 : i32
    %dma_start3A_14 = arith.constant 0 : i32
    %dma_start3A_15 = tpu.memref_slice %arg3[%dma_start3A_13, %dma_start3A_14] : memref<100000x128xf32, #tpu.memory_space<hbm>> -> memref<100000x128xf32, #tpu.memory_space<hbm>>
    tpu.enqueue_indirect_dma source(%dma_start3A_15 : memref<100000x128xf32, #tpu.memory_space<hbm>>) target(%arg7 : memref<128x128xf32, #tpu.memory_space<vmem>>) offsets(%dma_start3A_12 : memref<128xi32, #tpu.memory_space<vmem>>) semaphore(%arg12 : memref<!tpu.dma_semaphore, #tpu.memory_space<semaphore_mem>>)
    %dma_start3A_16 = arith.constant 2 : i32
    %dma_start3A_17 = arith.constant 0 : i32
    %dma_start3A_18 = tpu.memref_slice %arg5[%dma_start3A_16, %dma_start3A_17] : memref<50x128xi32, #tpu.memory_space<vmem>> -> memref<1x128xi32, #tpu.memory_space<vmem>>
    %dma_start3A_19 = tpu.memref_squeeze %dma_start3A_18 : memref<1x128xi32, #tpu.memory_space<vmem>> -> memref<128xi32, #tpu.memory_space<vmem>>
    %dma_start3A_20 = arith.constant 0 : i32
    %dma_start3A_21 = arith.constant 0 : i32
    %dma_start3A_22 = tpu.memref_slice %arg3[%dma_start3A_20, %dma_start3A_21] : memref<100000x128xf32, #tpu.memory_space<hbm>> -> memref<100000x128xf32, #tpu.memory_space<hbm>>
    tpu.enqueue_indirect_dma source(%dma_start3A_22 : memref<100000x128xf32, #tpu.memory_space<hbm>>) target(%arg8 : memref<128x128xf32, #tpu.memory_space<vmem>>) offsets(%dma_start3A_19 : memref<128xi32, #tpu.memory_space<vmem>>) semaphore(%arg13 : memref<!tpu.dma_semaphore, #tpu.memory_space<semaphore_mem>>)
    %scan3A = arith.constant 0 : i32
    %scan3A_23 = arith.constant 0 : i32
    %scan3A_24 = arith.constant 10 : i32
    %scan3A_25 = arith.addi %scan3A_23, %scan3A_24 : i32
    %scan3A_26 = arith.constant 1 : i32
    scf.for %scan3A_67 = %scan3A_23 to %scan3A_25 step %scan3A_26  : i32 {
      %mul3A_68 = arith.constant 5 : i32
      %mul3A_69 = arith.muli %scan3A_67, %mul3A_68 : i32
      %add3A_70 = arith.constant 0 : i32
      %add3A_71 = arith.addi %mul3A_69, %add3A_70 : i32
      %add3A_72 = arith.constant 3 : i32
      %add3A_73 = arith.addi %add3A_71, %add3A_72 : i32
      %lt3A = arith.constant 50 : i32
      %lt3A_74 = arith.cmpi slt, %add3A_73, %lt3A : i32
      %convert_element_type3A = arith.extui %lt3A_74 : i1 to i32
      %cond3A = arith.constant 0 : i32
      %cond3A_75 = arith.cmpi ne, %convert_element_type3A, %cond3A : i32
      scf.if %cond3A_75 {
        %add3A_195 = arith.constant 3 : i32
        %add3A_196 = arith.addi %add3A_71, %add3A_195 : i32
        %ge3A = arith.constant 5 : i32
        %ge3A_197 = arith.cmpi sge, %add3A_196, %ge3A : i32
        %convert_element_type3A_198 = arith.extui %ge3A_197 : i1 to i32
        %cond3A_199 = arith.constant 0 : i32
        %cond3A_200 = arith.cmpi ne, %convert_element_type3A_198, %cond3A_199 : i32
        scf.if %cond3A_200 {
          %dma_wait3A_209 = arith.constant 0 : i32
          %dma_wait3A_210 = arith.constant 0 : i32
          %dma_wait3A_211 = tpu.memref_slice %arg4[%mul3A_2, %dma_wait3A_209, %dma_wait3A_210] : memref<1600x128x128xf32, #tpu.memory_space<hbm>> -> memref<1x128x128xf32, #tpu.memory_space<hbm>>
          %dma_wait3A_212 = tpu.memref_squeeze %dma_wait3A_211 : memref<1x128x128xf32, #tpu.memory_space<hbm>> -> memref<128x128xf32, #tpu.memory_space<hbm>>
          %dma_wait3A_213 = arith.constant 0 : i32
          %dma_wait3A_214 = arith.constant 0 : i32
          %dma_wait3A_215 = tpu.memref_slice %arg4[%mul3A_2, %dma_wait3A_213, %dma_wait3A_214] : memref<1600x128x128xf32, #tpu.memory_space<hbm>> -> memref<1x128x128xf32, #tpu.memory_space<hbm>>
          %dma_wait3A_216 = tpu.memref_squeeze %dma_wait3A_215 : memref<1x128x128xf32, #tpu.memory_space<hbm>> -> memref<128x128xf32, #tpu.memory_space<hbm>>
          tpu.wait_dma2 semaphore(%arg19 : memref<!tpu.dma_semaphore, #tpu.memory_space<semaphore_mem>>) src(%arg9 : memref<128x128xf32, #tpu.memory_space<vmem>>) dst(%dma_wait3A_216 : memref<128x128xf32, #tpu.memory_space<hbm>>)
        } else {
        }
        %add3A_201 = arith.constant 3 : i32
        %add3A_202 = arith.addi %add3A_71, %add3A_201 : i32
        %dma_start3A_203 = arith.constant 0 : i32
        %dma_start3A_204 = tpu.memref_slice %arg5[%add3A_202, %dma_start3A_203] : memref<50x128xi32, #tpu.memory_space<vmem>> -> memref<1x128xi32, #tpu.memory_space<vmem>>
        %dma_start3A_205 = tpu.memref_squeeze %dma_start3A_204 : memref<1x128xi32, #tpu.memory_space<vmem>> -> memref<128xi32, #tpu.memory_space<vmem>>
        %dma_start3A_206 = arith.constant 0 : i32
        %dma_start3A_207 = arith.constant 0 : i32
        %dma_start3A_208 = tpu.memref_slice %arg3[%dma_start3A_206, %dma_start3A_207] : memref<100000x128xf32, #tpu.memory_space<hbm>> -> memref<100000x128xf32, #tpu.memory_space<hbm>>
        tpu.enqueue_indirect_dma source(%dma_start3A_208 : memref<100000x128xf32, #tpu.memory_space<hbm>>) target(%arg9 : memref<128x128xf32, #tpu.memory_space<vmem>>) offsets(%dma_start3A_205 : memref<128xi32, #tpu.memory_space<vmem>>) semaphore(%arg14 : memref<!tpu.dma_semaphore, #tpu.memory_space<semaphore_mem>>)
      } else {
      }
      %dma_wait3A_76 = arith.constant 0 : i32
      %dma_wait3A_77 = tpu.memref_slice %arg5[%add3A_71, %dma_wait3A_76] : memref<50x128xi32, #tpu.memory_space<vmem>> -> memref<1x128xi32, #tpu.memory_space<vmem>>
      %dma_wait3A_78 = tpu.memref_squeeze %dma_wait3A_77 : memref<1x128xi32, #tpu.memory_space<vmem>> -> memref<128xi32, #tpu.memory_space<vmem>>
      %dma_wait3A_79 = arith.constant 0 : i32
      %dma_wait3A_80 = arith.constant 0 : i32
      %dma_wait3A_81 = tpu.memref_slice %arg3[%dma_wait3A_79, %dma_wait3A_80] : memref<100000x128xf32, #tpu.memory_space<hbm>> -> memref<100000x128xf32, #tpu.memory_space<hbm>>
      tpu.wait_indirect_dma semaphore(%arg11 : memref<!tpu.dma_semaphore, #tpu.memory_space<semaphore_mem>>) src(%dma_wait3A_81 : memref<100000x128xf32, #tpu.memory_space<hbm>>) dst(%arg6 : memref<128x128xf32, #tpu.memory_space<vmem>>)
      %add3A_82 = arith.addi %mul3A_2, %add3A_71 : i32
      %dma_start3A_83 = arith.constant 0 : i32
      %dma_start3A_84 = arith.constant 0 : i32
      %dma_start3A_85 = tpu.memref_slice %arg4[%add3A_82, %dma_start3A_83, %dma_start3A_84] : memref<1600x128x128xf32, #tpu.memory_space<hbm>> -> memref<1x128x128xf32, #tpu.memory_space<hbm>>
      %dma_start3A_86 = tpu.memref_squeeze %dma_start3A_85 : memref<1x128x128xf32, #tpu.memory_space<hbm>> -> memref<128x128xf32, #tpu.memory_space<hbm>>
      %dma_start3A_87 = arith.constant 0 : i32
      %dma_start3A_88 = arith.constant 0 : i32
      %dma_start3A_89 = tpu.memref_slice %arg4[%add3A_82, %dma_start3A_87, %dma_start3A_88] : memref<1600x128x128xf32, #tpu.memory_space<hbm>> -> memref<1x128x128xf32, #tpu.memory_space<hbm>>
      %dma_start3A_90 = tpu.memref_squeeze %dma_start3A_89 : memref<1x128x128xf32, #tpu.memory_space<hbm>> -> memref<128x128xf32, #tpu.memory_space<hbm>>
      tpu.enqueue_dma source(%arg6 : memref<128x128xf32, #tpu.memory_space<vmem>>) target(%dma_start3A_90 : memref<128x128xf32, #tpu.memory_space<hbm>>) target_semaphore(%arg16 : memref<!tpu.dma_semaphore, #tpu.memory_space<semaphore_mem>>)
      %mul3A_91 = arith.constant 5 : i32
      %mul3A_92 = arith.muli %scan3A_67, %mul3A_91 : i32
      %add3A_93 = arith.constant 1 : i32
      %add3A_94 = arith.addi %mul3A_92, %add3A_93 : i32
      %add3A_95 = arith.constant 3 : i32
      %add3A_96 = arith.addi %add3A_94, %add3A_95 : i32
      %lt3A_97 = arith.constant 50 : i32
      %lt3A_98 = arith.cmpi slt, %add3A_96, %lt3A_97 : i32
      %convert_element_type3A_99 = arith.extui %lt3A_98 : i1 to i32
      %cond3A_100 = arith.constant 0 : i32
      %cond3A_101 = arith.cmpi ne, %convert_element_type3A_99, %cond3A_100 : i32
      scf.if %cond3A_101 {
        %add3A_195 = arith.constant 3 : i32
        %add3A_196 = arith.addi %add3A_94, %add3A_195 : i32
        %ge3A = arith.constant 5 : i32
        %ge3A_197 = arith.cmpi sge, %add3A_196, %ge3A : i32
        %convert_element_type3A_198 = arith.extui %ge3A_197 : i1 to i32
        %cond3A_199 = arith.constant 0 : i32
        %cond3A_200 = arith.cmpi ne, %convert_element_type3A_198, %cond3A_199 : i32
        scf.if %cond3A_200 {
          %dma_wait3A_209 = arith.constant 0 : i32
          %dma_wait3A_210 = arith.constant 0 : i32
          %dma_wait3A_211 = tpu.memref_slice %arg4[%mul3A_2, %dma_wait3A_209, %dma_wait3A_210] : memref<1600x128x128xf32, #tpu.memory_space<hbm>> -> memref<1x128x128xf32, #tpu.memory_space<hbm>>
          %dma_wait3A_212 = tpu.memref_squeeze %dma_wait3A_211 : memref<1x128x128xf32, #tpu.memory_space<hbm>> -> memref<128x128xf32, #tpu.memory_space<hbm>>
          %dma_wait3A_213 = arith.constant 0 : i32
          %dma_wait3A_214 = arith.constant 0 : i32
          %dma_wait3A_215 = tpu.memref_slice %arg4[%mul3A_2, %dma_wait3A_213, %dma_wait3A_214] : memref<1600x128x128xf32, #tpu.memory_space<hbm>> -> memref<1x128x128xf32, #tpu.memory_space<hbm>>
          %dma_wait3A_216 = tpu.memref_squeeze %dma_wait3A_215 : memref<1x128x128xf32, #tpu.memory_space<hbm>> -> memref<128x128xf32, #tpu.memory_space<hbm>>
          tpu.wait_dma2 semaphore(%arg20 : memref<!tpu.dma_semaphore, #tpu.memory_space<semaphore_mem>>) src(%arg10 : memref<128x128xf32, #tpu.memory_space<vmem>>) dst(%dma_wait3A_216 : memref<128x128xf32, #tpu.memory_space<hbm>>)
        } else {
        }
        %add3A_201 = arith.constant 3 : i32
        %add3A_202 = arith.addi %add3A_94, %add3A_201 : i32
        %dma_start3A_203 = arith.constant 0 : i32
        %dma_start3A_204 = tpu.memref_slice %arg5[%add3A_202, %dma_start3A_203] : memref<50x128xi32, #tpu.memory_space<vmem>> -> memref<1x128xi32, #tpu.memory_space<vmem>>
        %dma_start3A_205 = tpu.memref_squeeze %dma_start3A_204 : memref<1x128xi32, #tpu.memory_space<vmem>> -> memref<128xi32, #tpu.memory_space<vmem>>
        %dma_start3A_206 = arith.constant 0 : i32
        %dma_start3A_207 = arith.constant 0 : i32
        %dma_start3A_208 = tpu.memref_slice %arg3[%dma_start3A_206, %dma_start3A_207] : memref<100000x128xf32, #tpu.memory_space<hbm>> -> memref<100000x128xf32, #tpu.memory_space<hbm>>
        tpu.enqueue_indirect_dma source(%dma_start3A_208 : memref<100000x128xf32, #tpu.memory_space<hbm>>) target(%arg10 : memref<128x128xf32, #tpu.memory_space<vmem>>) offsets(%dma_start3A_205 : memref<128xi32, #tpu.memory_space<vmem>>) semaphore(%arg15 : memref<!tpu.dma_semaphore, #tpu.memory_space<semaphore_mem>>)
      } else {
      }
      %dma_wait3A_102 = arith.constant 0 : i32
      %dma_wait3A_103 = tpu.memref_slice %arg5[%add3A_94, %dma_wait3A_102] : memref<50x128xi32, #tpu.memory_space<vmem>> -> memref<1x128xi32, #tpu.memory_space<vmem>>
      %dma_wait3A_104 = tpu.memref_squeeze %dma_wait3A_103 : memref<1x128xi32, #tpu.memory_space<vmem>> -> memref<128xi32, #tpu.memory_space<vmem>>
      %dma_wait3A_105 = arith.constant 0 : i32
      %dma_wait3A_106 = arith.constant 0 : i32
      %dma_wait3A_107 = tpu.memref_slice %arg3[%dma_wait3A_105, %dma_wait3A_106] : memref<100000x128xf32, #tpu.memory_space<hbm>> -> memref<100000x128xf32, #tpu.memory_space<hbm>>
      tpu.wait_indirect_dma semaphore(%arg12 : memref<!tpu.dma_semaphore, #tpu.memory_space<semaphore_mem>>) src(%dma_wait3A_107 : memref<100000x128xf32, #tpu.memory_space<hbm>>) dst(%arg7 : memref<128x128xf32, #tpu.memory_space<vmem>>)
      %add3A_108 = arith.addi %mul3A_2, %add3A_94 : i32
      %dma_start3A_109 = arith.constant 0 : i32
      %dma_start3A_110 = arith.constant 0 : i32
      %dma_start3A_111 = tpu.memref_slice %arg4[%add3A_108, %dma_start3A_109, %dma_start3A_110] : memref<1600x128x128xf32, #tpu.memory_space<hbm>> -> memref<1x128x128xf32, #tpu.memory_space<hbm>>
      %dma_start3A_112 = tpu.memref_squeeze %dma_start3A_111 : memref<1x128x128xf32, #tpu.memory_space<hbm>> -> memref<128x128xf32, #tpu.memory_space<hbm>>
      %dma_start3A_113 = arith.constant 0 : i32
      %dma_start3A_114 = arith.constant 0 : i32
      %dma_start3A_115 = tpu.memref_slice %arg4[%add3A_108, %dma_start3A_113, %dma_start3A_114] : memref<1600x128x128xf32, #tpu.memory_space<hbm>> -> memref<1x128x128xf32, #tpu.memory_space<hbm>>
      %dma_start3A_116 = tpu.memref_squeeze %dma_start3A_115 : memref<1x128x128xf32, #tpu.memory_space<hbm>> -> memref<128x128xf32, #tpu.memory_space<hbm>>
      tpu.enqueue_dma source(%arg7 : memref<128x128xf32, #tpu.memory_space<vmem>>) target(%dma_start3A_116 : memref<128x128xf32, #tpu.memory_space<hbm>>) target_semaphore(%arg17 : memref<!tpu.dma_semaphore, #tpu.memory_space<semaphore_mem>>)
      %mul3A_117 = arith.constant 5 : i32
      %mul3A_118 = arith.muli %scan3A_67, %mul3A_117 : i32
      %add3A_119 = arith.constant 2 : i32
      %add3A_120 = arith.addi %mul3A_118, %add3A_119 : i32
      %add3A_121 = arith.constant 3 : i32
      %add3A_122 = arith.addi %add3A_120, %add3A_121 : i32
      %lt3A_123 = arith.constant 50 : i32
      %lt3A_124 = arith.cmpi slt, %add3A_122, %lt3A_123 : i32
      %convert_element_type3A_125 = arith.extui %lt3A_124 : i1 to i32
      %cond3A_126 = arith.constant 0 : i32
      %cond3A_127 = arith.cmpi ne, %convert_element_type3A_125, %cond3A_126 : i32
      scf.if %cond3A_127 {
        %add3A_195 = arith.constant 3 : i32
        %add3A_196 = arith.addi %add3A_120, %add3A_195 : i32
        %ge3A = arith.constant 5 : i32
        %ge3A_197 = arith.cmpi sge, %add3A_196, %ge3A : i32
        %convert_element_type3A_198 = arith.extui %ge3A_197 : i1 to i32
        %cond3A_199 = arith.constant 0 : i32
        %cond3A_200 = arith.cmpi ne, %convert_element_type3A_198, %cond3A_199 : i32
        scf.if %cond3A_200 {
          %dma_wait3A_209 = arith.constant 0 : i32
          %dma_wait3A_210 = arith.constant 0 : i32
          %dma_wait3A_211 = tpu.memref_slice %arg4[%mul3A_2, %dma_wait3A_209, %dma_wait3A_210] : memref<1600x128x128xf32, #tpu.memory_space<hbm>> -> memref<1x128x128xf32, #tpu.memory_space<hbm>>
          %dma_wait3A_212 = tpu.memref_squeeze %dma_wait3A_211 : memref<1x128x128xf32, #tpu.memory_space<hbm>> -> memref<128x128xf32, #tpu.memory_space<hbm>>
          %dma_wait3A_213 = arith.constant 0 : i32
          %dma_wait3A_214 = arith.constant 0 : i32
          %dma_wait3A_215 = tpu.memref_slice %arg4[%mul3A_2, %dma_wait3A_213, %dma_wait3A_214] : memref<1600x128x128xf32, #tpu.memory_space<hbm>> -> memref<1x128x128xf32, #tpu.memory_space<hbm>>
          %dma_wait3A_216 = tpu.memref_squeeze %dma_wait3A_215 : memref<1x128x128xf32, #tpu.memory_space<hbm>> -> memref<128x128xf32, #tpu.memory_space<hbm>>
          tpu.wait_dma2 semaphore(%arg16 : memref<!tpu.dma_semaphore, #tpu.memory_space<semaphore_mem>>) src(%arg6 : memref<128x128xf32, #tpu.memory_space<vmem>>) dst(%dma_wait3A_216 : memref<128x128xf32, #tpu.memory_space<hbm>>)
        } else {
        }
        %add3A_201 = arith.constant 3 : i32
        %add3A_202 = arith.addi %add3A_120, %add3A_201 : i32
        %dma_start3A_203 = arith.constant 0 : i32
        %dma_start3A_204 = tpu.memref_slice %arg5[%add3A_202, %dma_start3A_203] : memref<50x128xi32, #tpu.memory_space<vmem>> -> memref<1x128xi32, #tpu.memory_space<vmem>>
        %dma_start3A_205 = tpu.memref_squeeze %dma_start3A_204 : memref<1x128xi32, #tpu.memory_space<vmem>> -> memref<128xi32, #tpu.memory_space<vmem>>
        %dma_start3A_206 = arith.constant 0 : i32
        %dma_start3A_207 = arith.constant 0 : i32
        %dma_start3A_208 = tpu.memref_slice %arg3[%dma_start3A_206, %dma_start3A_207] : memref<100000x128xf32, #tpu.memory_space<hbm>> -> memref<100000x128xf32, #tpu.memory_space<hbm>>
        tpu.enqueue_indirect_dma source(%dma_start3A_208 : memref<100000x128xf32, #tpu.memory_space<hbm>>) target(%arg6 : memref<128x128xf32, #tpu.memory_space<vmem>>) offsets(%dma_start3A_205 : memref<128xi32, #tpu.memory_space<vmem>>) semaphore(%arg11 : memref<!tpu.dma_semaphore, #tpu.memory_space<semaphore_mem>>)
      } else {
      }
      %dma_wait3A_128 = arith.constant 0 : i32
      %dma_wait3A_129 = tpu.memref_slice %arg5[%add3A_120, %dma_wait3A_128] : memref<50x128xi32, #tpu.memory_space<vmem>> -> memref<1x128xi32, #tpu.memory_space<vmem>>
      %dma_wait3A_130 = tpu.memref_squeeze %dma_wait3A_129 : memref<1x128xi32, #tpu.memory_space<vmem>> -> memref<128xi32, #tpu.memory_space<vmem>>
      %dma_wait3A_131 = arith.constant 0 : i32
      %dma_wait3A_132 = arith.constant 0 : i32
      %dma_wait3A_133 = tpu.memref_slice %arg3[%dma_wait3A_131, %dma_wait3A_132] : memref<100000x128xf32, #tpu.memory_space<hbm>> -> memref<100000x128xf32, #tpu.memory_space<hbm>>
      tpu.wait_indirect_dma semaphore(%arg13 : memref<!tpu.dma_semaphore, #tpu.memory_space<semaphore_mem>>) src(%dma_wait3A_133 : memref<100000x128xf32, #tpu.memory_space<hbm>>) dst(%arg8 : memref<128x128xf32, #tpu.memory_space<vmem>>)
      %add3A_134 = arith.addi %mul3A_2, %add3A_120 : i32
      %dma_start3A_135 = arith.constant 0 : i32
      %dma_start3A_136 = arith.constant 0 : i32
      %dma_start3A_137 = tpu.memref_slice %arg4[%add3A_134, %dma_start3A_135, %dma_start3A_136] : memref<1600x128x128xf32, #tpu.memory_space<hbm>> -> memref<1x128x128xf32, #tpu.memory_space<hbm>>
      %dma_start3A_138 = tpu.memref_squeeze %dma_start3A_137 : memref<1x128x128xf32, #tpu.memory_space<hbm>> -> memref<128x128xf32, #tpu.memory_space<hbm>>
      %dma_start3A_139 = arith.constant 0 : i32
      %dma_start3A_140 = arith.constant 0 : i32
      %dma_start3A_141 = tpu.memref_slice %arg4[%add3A_134, %dma_start3A_139, %dma_start3A_140] : memref<1600x128x128xf32, #tpu.memory_space<hbm>> -> memref<1x128x128xf32, #tpu.memory_space<hbm>>
      %dma_start3A_142 = tpu.memref_squeeze %dma_start3A_141 : memref<1x128x128xf32, #tpu.memory_space<hbm>> -> memref<128x128xf32, #tpu.memory_space<hbm>>
      tpu.enqueue_dma source(%arg8 : memref<128x128xf32, #tpu.memory_space<vmem>>) target(%dma_start3A_142 : memref<128x128xf32, #tpu.memory_space<hbm>>) target_semaphore(%arg18 : memref<!tpu.dma_semaphore, #tpu.memory_space<semaphore_mem>>)
      %mul3A_143 = arith.constant 5 : i32
      %mul3A_144 = arith.muli %scan3A_67, %mul3A_143 : i32
      %add3A_145 = arith.constant 3 : i32
      %add3A_146 = arith.addi %mul3A_144, %add3A_145 : i32
      %add3A_147 = arith.constant 3 : i32
      %add3A_148 = arith.addi %add3A_146, %add3A_147 : i32
      %lt3A_149 = arith.constant 50 : i32
      %lt3A_150 = arith.cmpi slt, %add3A_148, %lt3A_149 : i32
      %convert_element_type3A_151 = arith.extui %lt3A_150 : i1 to i32
      %cond3A_152 = arith.constant 0 : i32
      %cond3A_153 = arith.cmpi ne, %convert_element_type3A_151, %cond3A_152 : i32
      scf.if %cond3A_153 {
        %add3A_195 = arith.constant 3 : i32
        %add3A_196 = arith.addi %add3A_146, %add3A_195 : i32
        %ge3A = arith.constant 5 : i32
        %ge3A_197 = arith.cmpi sge, %add3A_196, %ge3A : i32
        %convert_element_type3A_198 = arith.extui %ge3A_197 : i1 to i32
        %cond3A_199 = arith.constant 0 : i32
        %cond3A_200 = arith.cmpi ne, %convert_element_type3A_198, %cond3A_199 : i32
        scf.if %cond3A_200 {
          %dma_wait3A_209 = arith.constant 0 : i32
          %dma_wait3A_210 = arith.constant 0 : i32
          %dma_wait3A_211 = tpu.memref_slice %arg4[%mul3A_2, %dma_wait3A_209, %dma_wait3A_210] : memref<1600x128x128xf32, #tpu.memory_space<hbm>> -> memref<1x128x128xf32, #tpu.memory_space<hbm>>
          %dma_wait3A_212 = tpu.memref_squeeze %dma_wait3A_211 : memref<1x128x128xf32, #tpu.memory_space<hbm>> -> memref<128x128xf32, #tpu.memory_space<hbm>>
          %dma_wait3A_213 = arith.constant 0 : i32
          %dma_wait3A_214 = arith.constant 0 : i32
          %dma_wait3A_215 = tpu.memref_slice %arg4[%mul3A_2, %dma_wait3A_213, %dma_wait3A_214] : memref<1600x128x128xf32, #tpu.memory_space<hbm>> -> memref<1x128x128xf32, #tpu.memory_space<hbm>>
          %dma_wait3A_216 = tpu.memref_squeeze %dma_wait3A_215 : memref<1x128x128xf32, #tpu.memory_space<hbm>> -> memref<128x128xf32, #tpu.memory_space<hbm>>
          tpu.wait_dma2 semaphore(%arg17 : memref<!tpu.dma_semaphore, #tpu.memory_space<semaphore_mem>>) src(%arg7 : memref<128x128xf32, #tpu.memory_space<vmem>>) dst(%dma_wait3A_216 : memref<128x128xf32, #tpu.memory_space<hbm>>)
        } else {
        }
        %add3A_201 = arith.constant 3 : i32
        %add3A_202 = arith.addi %add3A_146, %add3A_201 : i32
        %dma_start3A_203 = arith.constant 0 : i32
        %dma_start3A_204 = tpu.memref_slice %arg5[%add3A_202, %dma_start3A_203] : memref<50x128xi32, #tpu.memory_space<vmem>> -> memref<1x128xi32, #tpu.memory_space<vmem>>
        %dma_start3A_205 = tpu.memref_squeeze %dma_start3A_204 : memref<1x128xi32, #tpu.memory_space<vmem>> -> memref<128xi32, #tpu.memory_space<vmem>>
        %dma_start3A_206 = arith.constant 0 : i32
        %dma_start3A_207 = arith.constant 0 : i32
        %dma_start3A_208 = tpu.memref_slice %arg3[%dma_start3A_206, %dma_start3A_207] : memref<100000x128xf32, #tpu.memory_space<hbm>> -> memref<100000x128xf32, #tpu.memory_space<hbm>>
        tpu.enqueue_indirect_dma source(%dma_start3A_208 : memref<100000x128xf32, #tpu.memory_space<hbm>>) target(%arg7 : memref<128x128xf32, #tpu.memory_space<vmem>>) offsets(%dma_start3A_205 : memref<128xi32, #tpu.memory_space<vmem>>) semaphore(%arg12 : memref<!tpu.dma_semaphore, #tpu.memory_space<semaphore_mem>>)
      } else {
      }
      %dma_wait3A_154 = arith.constant 0 : i32
      %dma_wait3A_155 = tpu.memref_slice %arg5[%add3A_146, %dma_wait3A_154] : memref<50x128xi32, #tpu.memory_space<vmem>> -> memref<1x128xi32, #tpu.memory_space<vmem>>
      %dma_wait3A_156 = tpu.memref_squeeze %dma_wait3A_155 : memref<1x128xi32, #tpu.memory_space<vmem>> -> memref<128xi32, #tpu.memory_space<vmem>>
      %dma_wait3A_157 = arith.constant 0 : i32
      %dma_wait3A_158 = arith.constant 0 : i32
      %dma_wait3A_159 = tpu.memref_slice %arg3[%dma_wait3A_157, %dma_wait3A_158] : memref<100000x128xf32, #tpu.memory_space<hbm>> -> memref<100000x128xf32, #tpu.memory_space<hbm>>
      tpu.wait_indirect_dma semaphore(%arg14 : memref<!tpu.dma_semaphore, #tpu.memory_space<semaphore_mem>>) src(%dma_wait3A_159 : memref<100000x128xf32, #tpu.memory_space<hbm>>) dst(%arg9 : memref<128x128xf32, #tpu.memory_space<vmem>>)
      %add3A_160 = arith.addi %mul3A_2, %add3A_146 : i32
      %dma_start3A_161 = arith.constant 0 : i32
      %dma_start3A_162 = arith.constant 0 : i32
      %dma_start3A_163 = tpu.memref_slice %arg4[%add3A_160, %dma_start3A_161, %dma_start3A_162] : memref<1600x128x128xf32, #tpu.memory_space<hbm>> -> memref<1x128x128xf32, #tpu.memory_space<hbm>>
      %dma_start3A_164 = tpu.memref_squeeze %dma_start3A_163 : memref<1x128x128xf32, #tpu.memory_space<hbm>> -> memref<128x128xf32, #tpu.memory_space<hbm>>
      %dma_start3A_165 = arith.constant 0 : i32
      %dma_start3A_166 = arith.constant 0 : i32
      %dma_start3A_167 = tpu.memref_slice %arg4[%add3A_160, %dma_start3A_165, %dma_start3A_166] : memref<1600x128x128xf32, #tpu.memory_space<hbm>> -> memref<1x128x128xf32, #tpu.memory_space<hbm>>
      %dma_start3A_168 = tpu.memref_squeeze %dma_start3A_167 : memref<1x128x128xf32, #tpu.memory_space<hbm>> -> memref<128x128xf32, #tpu.memory_space<hbm>>
      tpu.enqueue_dma source(%arg9 : memref<128x128xf32, #tpu.memory_space<vmem>>) target(%dma_start3A_168 : memref<128x128xf32, #tpu.memory_space<hbm>>) target_semaphore(%arg19 : memref<!tpu.dma_semaphore, #tpu.memory_space<semaphore_mem>>)
      %mul3A_169 = arith.constant 5 : i32
      %mul3A_170 = arith.muli %scan3A_67, %mul3A_169 : i32
      %add3A_171 = arith.constant 4 : i32
      %add3A_172 = arith.addi %mul3A_170, %add3A_171 : i32
      %add3A_173 = arith.constant 3 : i32
      %add3A_174 = arith.addi %add3A_172, %add3A_173 : i32
      %lt3A_175 = arith.constant 50 : i32
      %lt3A_176 = arith.cmpi slt, %add3A_174, %lt3A_175 : i32
      %convert_element_type3A_177 = arith.extui %lt3A_176 : i1 to i32
      %cond3A_178 = arith.constant 0 : i32
      %cond3A_179 = arith.cmpi ne, %convert_element_type3A_177, %cond3A_178 : i32
      scf.if %cond3A_179 {
        %add3A_195 = arith.constant 3 : i32
        %add3A_196 = arith.addi %add3A_172, %add3A_195 : i32
        %ge3A = arith.constant 5 : i32
        %ge3A_197 = arith.cmpi sge, %add3A_196, %ge3A : i32
        %convert_element_type3A_198 = arith.extui %ge3A_197 : i1 to i32
        %cond3A_199 = arith.constant 0 : i32
        %cond3A_200 = arith.cmpi ne, %convert_element_type3A_198, %cond3A_199 : i32
        scf.if %cond3A_200 {
          %dma_wait3A_209 = arith.constant 0 : i32
          %dma_wait3A_210 = arith.constant 0 : i32
          %dma_wait3A_211 = tpu.memref_slice %arg4[%mul3A_2, %dma_wait3A_209, %dma_wait3A_210] : memref<1600x128x128xf32, #tpu.memory_space<hbm>> -> memref<1x128x128xf32, #tpu.memory_space<hbm>>
          %dma_wait3A_212 = tpu.memref_squeeze %dma_wait3A_211 : memref<1x128x128xf32, #tpu.memory_space<hbm>> -> memref<128x128xf32, #tpu.memory_space<hbm>>
          %dma_wait3A_213 = arith.constant 0 : i32
          %dma_wait3A_214 = arith.constant 0 : i32
          %dma_wait3A_215 = tpu.memref_slice %arg4[%mul3A_2, %dma_wait3A_213, %dma_wait3A_214] : memref<1600x128x128xf32, #tpu.memory_space<hbm>> -> memref<1x128x128xf32, #tpu.memory_space<hbm>>
          %dma_wait3A_216 = tpu.memref_squeeze %dma_wait3A_215 : memref<1x128x128xf32, #tpu.memory_space<hbm>> -> memref<128x128xf32, #tpu.memory_space<hbm>>
          tpu.wait_dma2 semaphore(%arg18 : memref<!tpu.dma_semaphore, #tpu.memory_space<semaphore_mem>>) src(%arg8 : memref<128x128xf32, #tpu.memory_space<vmem>>) dst(%dma_wait3A_216 : memref<128x128xf32, #tpu.memory_space<hbm>>)
        } else {
        }
        %add3A_201 = arith.constant 3 : i32
        %add3A_202 = arith.addi %add3A_172, %add3A_201 : i32
        %dma_start3A_203 = arith.constant 0 : i32
        %dma_start3A_204 = tpu.memref_slice %arg5[%add3A_202, %dma_start3A_203] : memref<50x128xi32, #tpu.memory_space<vmem>> -> memref<1x128xi32, #tpu.memory_space<vmem>>
        %dma_start3A_205 = tpu.memref_squeeze %dma_start3A_204 : memref<1x128xi32, #tpu.memory_space<vmem>> -> memref<128xi32, #tpu.memory_space<vmem>>
        %dma_start3A_206 = arith.constant 0 : i32
        %dma_start3A_207 = arith.constant 0 : i32
        %dma_start3A_208 = tpu.memref_slice %arg3[%dma_start3A_206, %dma_start3A_207] : memref<100000x128xf32, #tpu.memory_space<hbm>> -> memref<100000x128xf32, #tpu.memory_space<hbm>>
        tpu.enqueue_indirect_dma source(%dma_start3A_208 : memref<100000x128xf32, #tpu.memory_space<hbm>>) target(%arg8 : memref<128x128xf32, #tpu.memory_space<vmem>>) offsets(%dma_start3A_205 : memref<128xi32, #tpu.memory_space<vmem>>) semaphore(%arg13 : memref<!tpu.dma_semaphore, #tpu.memory_space<semaphore_mem>>)
      } else {
      }
      %dma_wait3A_180 = arith.constant 0 : i32
      %dma_wait3A_181 = tpu.memref_slice %arg5[%add3A_172, %dma_wait3A_180] : memref<50x128xi32, #tpu.memory_space<vmem>> -> memref<1x128xi32, #tpu.memory_space<vmem>>
      %dma_wait3A_182 = tpu.memref_squeeze %dma_wait3A_181 : memref<1x128xi32, #tpu.memory_space<vmem>> -> memref<128xi32, #tpu.memory_space<vmem>>
      %dma_wait3A_183 = arith.constant 0 : i32
      %dma_wait3A_184 = arith.constant 0 : i32
      %dma_wait3A_185 = tpu.memref_slice %arg3[%dma_wait3A_183, %dma_wait3A_184] : memref<100000x128xf32, #tpu.memory_space<hbm>> -> memref<100000x128xf32, #tpu.memory_space<hbm>>
      tpu.wait_indirect_dma semaphore(%arg15 : memref<!tpu.dma_semaphore, #tpu.memory_space<semaphore_mem>>) src(%dma_wait3A_185 : memref<100000x128xf32, #tpu.memory_space<hbm>>) dst(%arg10 : memref<128x128xf32, #tpu.memory_space<vmem>>)
      %add3A_186 = arith.addi %mul3A_2, %add3A_172 : i32
      %dma_start3A_187 = arith.constant 0 : i32
      %dma_start3A_188 = arith.constant 0 : i32
      %dma_start3A_189 = tpu.memref_slice %arg4[%add3A_186, %dma_start3A_187, %dma_start3A_188] : memref<1600x128x128xf32, #tpu.memory_space<hbm>> -> memref<1x128x128xf32, #tpu.memory_space<hbm>>
      %dma_start3A_190 = tpu.memref_squeeze %dma_start3A_189 : memref<1x128x128xf32, #tpu.memory_space<hbm>> -> memref<128x128xf32, #tpu.memory_space<hbm>>
      %dma_start3A_191 = arith.constant 0 : i32
      %dma_start3A_192 = arith.constant 0 : i32
      %dma_start3A_193 = tpu.memref_slice %arg4[%add3A_186, %dma_start3A_191, %dma_start3A_192] : memref<1600x128x128xf32, #tpu.memory_space<hbm>> -> memref<1x128x128xf32, #tpu.memory_space<hbm>>
      %dma_start3A_194 = tpu.memref_squeeze %dma_start3A_193 : memref<1x128x128xf32, #tpu.memory_space<hbm>> -> memref<128x128xf32, #tpu.memory_space<hbm>>
      tpu.enqueue_dma source(%arg10 : memref<128x128xf32, #tpu.memory_space<vmem>>) target(%dma_start3A_194 : memref<128x128xf32, #tpu.memory_space<hbm>>) target_semaphore(%arg20 : memref<!tpu.dma_semaphore, #tpu.memory_space<semaphore_mem>>)
    }
    %scan3A_27 = arith.constant 10 : i32
    %dma_wait3A = arith.constant 0 : i32
    %dma_wait3A_28 = arith.constant 0 : i32
    %dma_wait3A_29 = tpu.memref_slice %arg4[%mul3A_2, %dma_wait3A, %dma_wait3A_28] : memref<1600x128x128xf32, #tpu.memory_space<hbm>> -> memref<1x128x128xf32, #tpu.memory_space<hbm>>
    %dma_wait3A_30 = tpu.memref_squeeze %dma_wait3A_29 : memref<1x128x128xf32, #tpu.memory_space<hbm>> -> memref<128x128xf32, #tpu.memory_space<hbm>>
    %dma_wait3A_31 = arith.constant 0 : i32
    %dma_wait3A_32 = arith.constant 0 : i32
    %dma_wait3A_33 = tpu.memref_slice %arg4[%mul3A_2, %dma_wait3A_31, %dma_wait3A_32] : memref<1600x128x128xf32, #tpu.memory_space<hbm>> -> memref<1x128x128xf32, #tpu.memory_space<hbm>>
    %dma_wait3A_34 = tpu.memref_squeeze %dma_wait3A_33 : memref<1x128x128xf32, #tpu.memory_space<hbm>> -> memref<128x128xf32, #tpu.memory_space<hbm>>
    tpu.wait_dma2 semaphore(%arg16 : memref<!tpu.dma_semaphore, #tpu.memory_space<semaphore_mem>>) src(%arg6 : memref<128x128xf32, #tpu.memory_space<vmem>>) dst(%dma_wait3A_34 : memref<128x128xf32, #tpu.memory_space<hbm>>)
    %dma_wait3A_35 = arith.constant 0 : i32
    %dma_wait3A_36 = arith.constant 0 : i32
    %dma_wait3A_37 = tpu.memref_slice %arg4[%mul3A_2, %dma_wait3A_35, %dma_wait3A_36] : memref<1600x128x128xf32, #tpu.memory_space<hbm>> -> memref<1x128x128xf32, #tpu.memory_space<hbm>>
    %dma_wait3A_38 = tpu.memref_squeeze %dma_wait3A_37 : memref<1x128x128xf32, #tpu.memory_space<hbm>> -> memref<128x128xf32, #tpu.memory_space<hbm>>
    %dma_wait3A_39 = arith.constant 0 : i32
    %dma_wait3A_40 = arith.constant 0 : i32
    %dma_wait3A_41 = tpu.memref_slice %arg4[%mul3A_2, %dma_wait3A_39, %dma_wait3A_40] : memref<1600x128x128xf32, #tpu.memory_space<hbm>> -> memref<1x128x128xf32, #tpu.memory_space<hbm>>
    %dma_wait3A_42 = tpu.memref_squeeze %dma_wait3A_41 : memref<1x128x128xf32, #tpu.memory_space<hbm>> -> memref<128x128xf32, #tpu.memory_space<hbm>>
    tpu.wait_dma2 semaphore(%arg17 : memref<!tpu.dma_semaphore, #tpu.memory_space<semaphore_mem>>) src(%arg7 : memref<128x128xf32, #tpu.memory_space<vmem>>) dst(%dma_wait3A_42 : memref<128x128xf32, #tpu.memory_space<hbm>>)
    %dma_wait3A_43 = arith.constant 0 : i32
    %dma_wait3A_44 = arith.constant 0 : i32
    %dma_wait3A_45 = tpu.memref_slice %arg4[%mul3A_2, %dma_wait3A_43, %dma_wait3A_44] : memref<1600x128x128xf32, #tpu.memory_space<hbm>> -> memref<1x128x128xf32, #tpu.memory_space<hbm>>
    %dma_wait3A_46 = tpu.memref_squeeze %dma_wait3A_45 : memref<1x128x128xf32, #tpu.memory_space<hbm>> -> memref<128x128xf32, #tpu.memory_space<hbm>>
    %dma_wait3A_47 = arith.constant 0 : i32
    %dma_wait3A_48 = arith.constant 0 : i32
    %dma_wait3A_49 = tpu.memref_slice %arg4[%mul3A_2, %dma_wait3A_47, %dma_wait3A_48] : memref<1600x128x128xf32, #tpu.memory_space<hbm>> -> memref<1x128x128xf32, #tpu.memory_space<hbm>>
    %dma_wait3A_50 = tpu.memref_squeeze %dma_wait3A_49 : memref<1x128x128xf32, #tpu.memory_space<hbm>> -> memref<128x128xf32, #tpu.memory_space<hbm>>
    tpu.wait_dma2 semaphore(%arg18 : memref<!tpu.dma_semaphore, #tpu.memory_space<semaphore_mem>>) src(%arg8 : memref<128x128xf32, #tpu.memory_space<vmem>>) dst(%dma_wait3A_50 : memref<128x128xf32, #tpu.memory_space<hbm>>)
    %dma_wait3A_51 = arith.constant 0 : i32
    %dma_wait3A_52 = arith.constant 0 : i32
    %dma_wait3A_53 = tpu.memref_slice %arg4[%mul3A_2, %dma_wait3A_51, %dma_wait3A_52] : memref<1600x128x128xf32, #tpu.memory_space<hbm>> -> memref<1x128x128xf32, #tpu.memory_space<hbm>>
    %dma_wait3A_54 = tpu.memref_squeeze %dma_wait3A_53 : memref<1x128x128xf32, #tpu.memory_space<hbm>> -> memref<128x128xf32, #tpu.memory_space<hbm>>
    %dma_wait3A_55 = arith.constant 0 : i32
    %dma_wait3A_56 = arith.constant 0 : i32
    %dma_wait3A_57 = tpu.memref_slice %arg4[%mul3A_2, %dma_wait3A_55, %dma_wait3A_56] : memref<1600x128x128xf32, #tpu.memory_space<hbm>> -> memref<1x128x128xf32, #tpu.memory_space<hbm>>
    %dma_wait3A_58 = tpu.memref_squeeze %dma_wait3A_57 : memref<1x128x128xf32, #tpu.memory_space<hbm>> -> memref<128x128xf32, #tpu.memory_space<hbm>>
    tpu.wait_dma2 semaphore(%arg19 : memref<!tpu.dma_semaphore, #tpu.memory_space<semaphore_mem>>) src(%arg9 : memref<128x128xf32, #tpu.memory_space<vmem>>) dst(%dma_wait3A_58 : memref<128x128xf32, #tpu.memory_space<hbm>>)
    %dma_wait3A_59 = arith.constant 0 : i32
    %dma_wait3A_60 = arith.constant 0 : i32
    %dma_wait3A_61 = tpu.memref_slice %arg4[%mul3A_2, %dma_wait3A_59, %dma_wait3A_60] : memref<1600x128x128xf32, #tpu.memory_space<hbm>> -> memref<1x128x128xf32, #tpu.memory_space<hbm>>
    %dma_wait3A_62 = tpu.memref_squeeze %dma_wait3A_61 : memref<1x128x128xf32, #tpu.memory_space<hbm>> -> memref<128x128xf32, #tpu.memory_space<hbm>>
    %dma_wait3A_63 = arith.constant 0 : i32
    %dma_wait3A_64 = arith.constant 0 : i32
    %dma_wait3A_65 = tpu.memref_slice %arg4[%mul3A_2, %dma_wait3A_63, %dma_wait3A_64] : memref<1600x128x128xf32, #tpu.memory_space<hbm>> -> memref<1x128x128xf32, #tpu.memory_space<hbm>>
    %dma_wait3A_66 = tpu.memref_squeeze %dma_wait3A_65 : memref<1x128x128xf32, #tpu.memory_space<hbm>> -> memref<128x128xf32, #tpu.memory_space<hbm>>
    tpu.wait_dma2 semaphore(%arg20 : memref<!tpu.dma_semaphore, #tpu.memory_space<semaphore_mem>>) src(%arg10 : memref<128x128xf32, #tpu.memory_space<vmem>>) dst(%dma_wait3A_66 : memref<128x128xf32, #tpu.memory_space<hbm>>)
    return
  }
}

</mosaic_0001>

<sc_bundles>
// kernel: kernel.3.cloned.1.call-start
scs
__scs_entry_jumppad:
0x0: {  	(pc) =	sbr.rel $0x88, $3  }
0x1: {  	(tag) =	ssettag $0x0;
	lr =	simm.s32 $0x1  }
0x2: {  	[smem:$0x3F9F] =	sst lr;
	_ =	strace $0xD0000000  }
0x3: {  	_ = 	snop  }
0x4: {  	_ = 	snop  }
0x5: {  	_ = 	snop  }
0x6: {  	_ = 	snop  }
0x7: {  	_ = 	snop  }
__scs_overlays_trampoline_lowered:
0x8: {  	[smem:$0x3FAE] =	sst s0  }
0x9: {  	[smem:$0x3FAF] =	sst s1  }
0xa: {  	[smem:$0x3FB0] =	sst s2  }
0xb: {  	[smem:$0x3FB1] =	sst s3  }
0xc: {  	[smem:$0x3FB2] =	sst s4  }
0xd: {  	[smem:$0x3FB3] =	sst s5  }
0xe: {  	[smem:$0x3FB4] =	sst s6  }
0xf: {  	[smem:$0x3FB5] =	sst s7  }
0x10: {  	[smem:$0x3FB6] =	sst s8  }
0x11: {  	[smem:$0x3FB7] =	sst s9;
	s0 =	simm.s32 @!p0 $0x0  }
0x12: {  	s1 =	sld [smem:$0x3F9D];
	s0 =	simm.s32 @p0 $0x1  }
0x13: {  	[smem:$0x3FB8] =	sst s0;
	s0 =	simm.s32 @!p1 $0x0  }
0x14: {  	s2 =	sld [smem:$0x3F9C];
	s0 =	simm.s32 @p1 $0x1  }
0x15: {  	[smem:$0x3FB9] =	sst s0;
	s0 =	simm.s32 @!p2 $0x0  }
0x16: {  	s3 =	sld [smem:$0x3FDB];
	s0 =	simm.s32 @p2 $0x1  }
0x17: {  	s4 =	simm.s32 $0x1BF5;
	[smem:$0x3FBB] =	sst s0  }
0x18: {  	s0 =	sld [smem:$0x3F9E];
	_ =	swait.ge [sflag:s4], $0x0  }
0x19: {  	s7 =	sld [smem:$0x3F9F]  }
0x1a: {  	s8 =	sadd.s32 $0xFFFFE003, lr  }
0x1b: {  	s9 =	sadd.s32 $0xFFFFFEF7, lr;
	s5 =	simm.s32 $0xFFFFFFFF;
	p2 =	slt.u32 s8, $0xFFFFF086  }
0x1c: {  	p1 =	slt.u32 s9, $0xF7A;
	s5 =	simm.s32 @!p2 $0x0  }
0x1d: {  	s5 =	simm.s32 @p1 $0x1;
	p0 =	seq.s32 s7, s2  }
0x1e: {  	s7 =	smul.u32 @!p0 $0xF7A, s2;
	p2 =	seq.s32 @!p0 s5, $0x0  }
0x1f: {  	s9 =	smul.u32 $0xF7A, s1;
	s8 =	simm.s32 @!p0 $0x1BF5;
	p2 =	por !p2, p0  }
0x20: {  	[sflag:s8] =	ssyncset.s32 @!p0 $0xFFFFF086;
	s6 =	sadd.s32 @!p0 s3, s7;
	s7 =	simm.s32 @!p0 $0x108  }
0x21: {  	s3 =	sadd.s32 s3, s9;
	s6 =	sadd.s32 @!p0 $0x88, s6;
	s7 =	simm.s32 @p2 $0x1082  }
0x22: {  	[simem:s7], [sflag:s8] =	dma.local @!p0 [hbm:s6], $0xF7A  }
0x23: {  	s9 =	sor.u32 $0xD0000000, s2;
	s6 =	simm.s32 $0x108;
	_ =	swait.ge @!p0 [sflag:s8], $0x0  }
0x24: {  	s3 =	sadd.s32 $0x88, s3;
	s6 =	simm.s32 @!p1 $0x1082;
	[sflag:s4] =	ssyncset.s32 $0xFFFFF086  }
0x25: {  	[simem:s6], [sflag:s4] =	dma.local [hbm:s3], $0xF7A  }
0x26: {  	[smem:$0x3F9F] =	sst s1;
	(tag) =	ssettag s2;
	_ =	strace s9  }
0x27: {  	s1 =	sld [smem:$0x3FAF]  }
0x28: {  	s2 =	sld [smem:$0x3FB0]  }
0x29: {  	s4 =	sld [smem:$0x3FB2]  }
0x2a: {  	p0 =	seq.s32 s5, $0x0;
	s5 =	sld [smem:$0x3FB3]  }
0x2b: {  	s6 =	sld [smem:$0x3FB4]  }
0x2c: {  	s7 =	sld [smem:$0x3FB5]  }
0x2d: {  	s3 =	simm.s32 $0x108;
	s8 =	sld [smem:$0x3FB6]  }
0x2e: {  	s3 =	simm.s32 @!p0 $0x1082;
	s9 =	sld [smem:$0x3FB7]  }
0x2f: {  	lr =	sadd.s32 s0, s3;
	s0 =	sld [smem:$0x3FAE]  }
0x30: {  	s3 =	sld [smem:$0x3FB1]  }
0x31: {  	[smem:$0x3FBA] =	sst s10  }
0x32: {  	s10 =	sld [smem:$0x3FB8];
	_ =	sdelay $0x3  }
0x33: {  	p0 =	seq.s32 s10, $0x1;
	s10 =	sld [smem:$0x3FBA];
	_ =	sdelay $0x3  }
0x34: {  	[smem:$0x3FBA] =	sst s10  }
0x35: {  	s10 =	sld [smem:$0x3FB9];
	_ =	sdelay $0x3  }
0x36: {  	p1 =	seq.s32 s10, $0x1;
	s10 =	sld [smem:$0x3FBA];
	_ =	sdelay $0x3  }
0x37: {  	[smem:$0x3FBA] =	sst s10  }
0x38: {  	s10 =	sld [smem:$0x3FBB]  }
0x39: {  	_ = 	snop;
	(pc) =	sbr.ind lr, $3  }
0x3a: {  	_ = 	snop  }
0x3b: {  	_ = 	snop  }
0x3c: {  	p2 =	seq.s32 s10, $0x1;
	s10 =	sld [smem:$0x3FBA]  }
0x3d: {  	_ =	shalt  }
0x3e: {  	_ =	shalt  }
0x3f: {  	_ =	shalt  }
0x40: {  	_ =	shalt  }
0x41: {  	_ =	shalt  }
0x42: {  	_ =	shalt  }
0x43: {  	_ =	shalt  }
0x44: {  	_ =	shalt  }
0x45: {  	_ =	shalt  }
0x46: {  	_ =	shalt  }
0x47: {  	_ =	shalt  }
0x48: {  	_ =	shalt  }
0x49: {  	_ =	shalt  }
0x4a: {  	_ =	shalt  }
0x4b: {  	_ =	shalt  }
0x4c: {  	_ =	shalt  }
0x4d: {  	_ =	shalt  }
0x4e: {  	_ =	shalt  }
0x4f: {  	_ =	shalt  }
0x50: {  	_ =	shalt  }
0x51: {  	_ =	shalt  }
0x52: {  	_ =	shalt  }
0x53: {  	_ =	shalt  }
0x54: {  	_ =	shalt  }
0x55: {  	_ =	shalt  }
0x56: {  	_ =	shalt  }
0x57: {  	_ =	shalt  }
0x58: {  	_ =	shalt  }
0x59: {  	_ =	shalt  }
0x5a: {  	_ =	shalt  }
0x5b: {  	_ =	shalt  }
0x5c: {  	_ =	shalt  }
0x5d: {  	_ =	shalt  }
0x5e: {  	_ =	shalt  }
0x5f: {  	_ =	shalt  }
0x60: {  	_ =	shalt  }
0x61: {  	_ =	shalt  }
0x62: {  	_ =	shalt  }
0x63: {  	_ =	shalt  }
0x64: {  	_ =	shalt  }
0x65: {  	_ =	shalt  }
0x66: {  	_ =	shalt  }
0x67: {  	_ =	shalt  }
0x68: {  	_ =	shalt  }
0x69: {  	_ =	shalt  }
0x6a: {  	_ =	shalt  }
0x6b: {  	_ =	shalt  }
0x6c: {  	_ =	shalt  }
0x6d: {  	_ =	shalt  }
0x6e: {  	_ =	shalt  }
0x6f: {  	_ =	shalt  }
0x70: {  	_ =	shalt  }
0x71: {  	_ =	shalt  }
0x72: {  	_ =	shalt  }
0x73: {  	_ =	shalt  }
0x74: {  	_ =	shalt  }
0x75: {  	_ =	shalt  }
0x76: {  	_ =	shalt  }
0x77: {  	_ =	shalt  }
0x78: {  	_ =	shalt  }
0x79: {  	_ =	shalt  }
0x7a: {  	_ =	shalt  }
0x7b: {  	_ =	shalt  }
0x7c: {  	_ =	shalt  }
0x7d: {  	_ =	shalt  }
0x7e: {  	_ =	shalt  }
0x7f: {  	_ =	shalt  }
0x80: {  	_ =	shalt  }
0x81: {  	_ =	shalt  }
0x82: {  	_ =	shalt  }
0x83: {  	_ =	shalt  }
0x84: {  	_ =	shalt  }
0x85: {  	_ =	shalt  }
0x86: {  	_ =	shalt  }
0x87: {  	_ =	shalt  }
.Lfunc_end0:
.L_simem_size_0:
called_computation_lowered:
.L_overlay_start_0:
0x88: {  	s2 =	sld [smem:$0x3FD9]  }
0x89: {  	s3 =	sld [smem:$0x3FFE];
	_ =	sdelay $0x1  }
0x8a: {  	s1 =	srdreg.scid  }
0x8b: {  	s0 =	sand.u32 $0x1, s1  }
0x8c: {  	s17 =	sshll.u32 s0, $0xA;
	s2 =	sadd.s32 s3, s2  }
0x8d: {  	s2 =	sadd.s32 s2, s17  }
0x8e: {  	[smem:$0x3FC6] =	sst s2  }
0x8f: {  	_ = 	snop  }
0x90: {  	s2 =	sld [smem:$0x3FC8]  }
0x91: {  	s18 =	sld [smem:$0x3FD0];
	(tm) =	ssettm $0x1  }
0x92: {  	s4 =	sld [smem:$0x3FFB];
	_ =	sdelay $0x3  }
0x93: {  	_ =	strace s4  }
0x94: {  	s4 =	sld [smem:$0x3FFC];
	_ =	sdelay $0x3  }
0x95: {  	_ =	strace s4  }
0x96: {  	s4 =	sld [smem:$0x3FFD];
	_ =	sdelay $0x3  }
0x97: {  	_ =	strace s4  }
0x98: {  	_ =	strace $0x8FFFFFFF  }
0x99: {  	s19 =	sld [smem:$0x3FDB];
	_ =	sdelay $0x1  }
0x9a: {  	s5 =	simm.s32 $_scs_section_size  }
0x9b: {  	s6 =	simm.s32 $_size__tile_overlayer_lowered;
	s7 =	simm.s32 $_tile_overlayer_lowered  }
0x9c: {  	s22 =	simm.s32 $0x1BFF;
	s21 =	sshll.u32 s7, $0x1;
	s4 =	sadd.s32 s5, s19  }
0x9d: {  	s8 =	simm.s32 $0x0;
	s20 =	sshll.u32 s6, $0x1;
	s6 =	sadd.s32 s21, s4  }
0x9e: {  	[timem:s8], [sflag:s22] =	dma.local [hbm:s6], s20  }
0x9f: {  	_ =	swait.ge [sflag:s22], s20  }
0xa0: {  	s5 =	ssub.s32 $0x0, s20;
	[sflag:s22] =	ssyncset.done $0x0  }
0xa1: {  	[sflag:s22] =	ssyncadd.s32 s5;
	_ =	sdelay $0x1  }
0xa2: {  	s23 =	simm.s32 $0x1B8B  }
0xa3: {  	_ =	swait.ge [sflag:s23], $0x1  }
0xa4: {  	[sflag:s23] =	ssyncset.done $0x0  }
0xa5: {  	s25 =	simm.s32 $0x1B8E;
	s24 =	sld [smem:$0x3FFE];
	[sflag:s23] =	ssyncadd.s32 $0xFFFFFFFF  }
0xa6: {  	s26 =	simm.s32 $execute0_lowered;
	[smem:$0x3FD2] =	sst s25  }
0xa7: {  	s6 =	sshll.u32 s26, $0x1;
	_ =	strace $0x80000046;
	[dreg:$0x1] =	wrdreg $0xFFFFFFFF  }
0xa8: {  	s28 =	simm.s32 $_size_execute0_lowered;
	s4 =	sadd.s32 s4, s6;
	[dreg:$0x0] =	wrdreg $0x0  }
0xa9: {  	s6 =	sshll.u32 s28, $0x1;
	[dreg:$0x2] =	wrdreg s4  }
0xaa: {  	[dreg:$0x3] =	wrdreg s6  }
0xab: {  	[dreg:$0x4] =	wrdreg $0xC0  }
0xac: {  	_ =	task [dreg:s8], $0x5FFFF  }
0xad: {  	[dreg:$0x1] =	wrdreg $0xFFFFFFFF  }
0xae: {  	[dreg:$0x0] =	wrdreg $0x60  }
0xaf: {  	[dreg:$0x2] =	wrdreg s24  }
0xb0: {  	[dreg:$0x3] =	wrdreg s2  }
0xb1: {  	[dreg:$0x4] =	wrdreg s18  }
0xb2: {  	[dreg:$0x5] =	wrdreg $0x9  }
0xb3: {  	_ =	task.clear_ibuf [dreg:s8], $0x6FFFF;
	_ =	strace $0x90000046  }
0xb4: {  	s29 =	simm.s32 $0x9;
	_ =	strace $0x80000048  }
0xb5: {  	_ =	swait.ge [sflag:s29], $0x1  }
0xb6: {  	[sflag:s29] =	ssyncadd.s32 $0xFFFFFFFF  }
0xb7: {  	_ =	strace $0x90000048  }
0xb8: {  	_ =	sfence  }
0xb9: {  	s30 =	sld [smem:$0x0];
	_ =	sdelay $0x2  }
0xba: {  	s31 =	sshll.u32 s1, $0xD;
	s1 =	sshrl.u32 s1, $0x2  }
0xbb: {  	s3 =	sand.u32 $0x4000, s31;
	s1 =	sadd.s32 s1, s30  }
0xbc: {  	s0 =	sor.u32 s3, s0;
	s1 =	sshll.u32 s1, $0x11  }
0xbd: {  	s0 =	sor.u32 s1, s0  }
0xbe: {  	s0 =	sadd.s32 $0x8F2B, s0  }
0xbf: {  	[sflag:s0] =	ssyncadd.remote.s32 $0x1  }
0xc0: {  	_ =	sfence.sel $0xFFFF  }
0xc1: {  	[dreg:$0x0] =	wrdreg $0xFFFFFFFF;
	(pc) =	sbr.abs _section_cstart, $3  }
0xc2: {  	[dreg:$0x1] =	wrdreg $0xFFFFFFFF  }
0xc3: {  	_ =	task.clear_ibuf [dreg:s8], $0x2FFFF;
	_ =	strace $0x9FFFFFFF  }
0xc4: {  	(tm) =	ssettm $0x7FFFFFFF  }
0xc5: {  	_ =	shalt  }
tec
execute0_lowered:
.L_overlay_start_1:
0x0: {  	(tag) =	ssettag $0x1  }
0x1: {  	s1 =	rddreg [dreg:$0x0]  }
0x2: {  	s0 =	srdreg.scid;
	s2 =	rddreg [dreg:$0x1]  }
0x3: {  	s10 =	stileid.u32;
	s4 =	rddreg [dreg:$0x2]  }
0x4: {  	s11 =	simm.s32 $0x80;
	s12 =	simm.s32 $0x1C00;
	s13 =	simm.s32 $0x5C00  }
0x5: {  	s15 =	simm.s32 $0x9C00;
	s16 =	simm.s32 $0xDC00;
	s17 =	simm.s32 $0x1  }
0x6: {  	s18 =	simm.s32 $0x11C00;
	s19 =	simm.s32 $0x2;
	s20 =	simm.s32 $0x3  }
0x7: {  	s21 =	simm.s32 $0x4;
	s22 =	simm.s32 $0x5;
	s6 =	smul.u32 $0x64, s10  }
0x8: {  	s0 =	sand.u32 $0x1, s0;
	s3 =	sshll.u32 s10, $0x1;
	s31 =	smul.u32 $0x32000, s10  }
0x9: {  	s29 =	simm.s32 $0x0;
	s3 =	sor.u32 s0, s3;
	s8 =	smul.u32 $0x32, s0  }
0xa: {  	s7 =	ssub.s32 $0x2, s0;
	s5 =	smul.u32 $0x380, s3;
	s3 =	simm.s32 $0x0  }
0xb: {  	s0 =	smul.u32 $0x19000, s0;
	s9 =	sshrl.u32 s7, $0x1;
	[smem:$0x7FF] =	sst s3  }
0xc: {  	s28 =	ssub.s32 s7, s9;
	s6 =	sadd.s32 s8, s6;
	s1 =	sadd.s32 s5, s1  }
0xd: {  	_ =	strace $0x80000047;
	s30 =	sshll.u32 s6, $0xB;
	s1 =	sadd.s32 $0x400, s1  }
0xe: {  	s5 =	smax.u32 s28, $0x1;
	[dreg:$0x4] =	wrdreg s1;
	s1 =	sadd.s32 s30, s4  }
0xf: {  	[dreg:$0x5] =	wrdreg s5;
	s4 =	sadd.s32 s31, s4;
	s6 =	sadd.s32 $0x1000, s1  }
0x10: {  	s7 =	sadd.s32 $0x800, s1;
	s5 =	sadd.s32 $0x2000, s1;
	s9 =	sadd.s32 s0, s4  }
.LBB2_1:
0x11: {  	s0 =	rddreg [dreg:$0x4];
	s24 =	simm.s32 $0xB  }
0x12: {  	[tilespmem:s3], [sflag:$0xB] =	stream.linear.gather [hbm4b:s0+s3], $0x1900, $0x38;
	[tilespmem:$0x15C00] =	vst v63  }
0x13: {  	_ =	swait.ge [sflag:s24], $0x1900  }
0x14: {  	[sflag:s24] =	ssyncset.done $0x0  }
0x15: {  	[sflag:s24] =	ssyncadd.s32 $0xFFFFE700  }
0x16: {  	[tilespmem:s12], [sflag:$0x1] =	stream.indirect.gather [hbm4b:s2+s11], $0x80, s3, s11, $0xb8;
	[tilespmem:$0x15C00] =	vst v63  }
0x17: {  	p0 =	por $0x1, $0x1  }
0x18: {  	[tilespmem:s13], [sflag:$0x2] =	stream.indirect.gather [hbm4b:s2+s11], $0x80, s11, s11, $0xb8;
	[tilespmem:$0x15C00] =	vst v63  }
0x19: {  	s25 =	simm.s32 $0x100;
	s0 =	simm.s32 @!p0 $0x9  }
0x1a: {  	[tilespmem:s15], [sflag:$0x3] =	stream.indirect.gather [hbm4b:s2+s11], $0x80, s25, s11, $0xb8;
	[tilespmem:$0x15C00] =	vst v63  }
0x1b: {  	_ =	swait.ge @!p0 [sflag:s0], $0x4000  }
0x1c: {  	[sflag:s0] =	ssyncset.done @!p0 $0x0  }
0x1d: {  	s1 =	simm.s32 $0x180;
	[sflag:s0] =	ssyncadd.s32 @!p0 $0xFFFFC000  }
0x1e: {  	[tilespmem:s16], [sflag:$0x4] =	stream.indirect.gather [hbm4b:s2+s11], $0x80, s1, s11, $0xb8;
	[tilespmem:$0x15C00] =	vst v63  }
0x1f: {  	_ =	swait.ge [sflag:s17], $0x4000  }
0x20: {  	[sflag:s17] =	ssyncset.done $0x0  }
0x21: {  	s0 =	simm.s32 @!p0 $0xA;
	[sflag:s17] =	ssyncadd.s32 $0xFFFFC000  }
0x22: {  	[hbm4b:s9+s3] =	stream.linear.scatter [tilespmem:s12], [sflag:$0x6], $0x4000, $0x38;
	[tilespmem:$0x15C00] =	vst v63  }
0x23: {  	_ =	swait.ge @!p0 [sflag:s0], $0x4000  }
0x24: {  	[sflag:s0] =	ssyncset.done @!p0 $0x0  }
0x25: {  	s26 =	simm.s32 $0x200;
	[sflag:s0] =	ssyncadd.s32 @!p0 $0xFFFFC000  }
0x26: {  	[tilespmem:s18], [sflag:$0x5] =	stream.indirect.gather [hbm4b:s2+s11], $0x80, s26, s11, $0xb8;
	[tilespmem:$0x15C00] =	vst v63  }
0x27: {  	_ =	swait.ge [sflag:s19], $0x4000  }
0x28: {  	p0 =	por $0x0, $0x0;
	[sflag:s19] =	ssyncset.done $0x0  }
0x29: {  	s0 =	simm.s32 @!p0 $0x6;
	[sflag:s19] =	ssyncadd.s32 $0xFFFFC000  }
0x2a: {  	[hbm4b:s7+s3] =	stream.linear.scatter [tilespmem:s13], [sflag:$0x7], $0x4000, $0x38;
	[tilespmem:$0x15C00] =	vst v63  }
0x2b: {  	_ =	swait.ge @!p0 [sflag:s0], $0x4000  }
0x2c: {  	s1 =	simm.s32 @!p0 $0x280;
	[sflag:s0] =	ssyncset.done @!p0 $0x0  }
0x2d: {  	s8 =	simm.s32 @!p0 $0x80;
	s4 =	simm.s32 @!p0 $0x1C00;
	[sflag:s0] =	ssyncadd.s32 @!p0 $0xFFFFC000  }
0x2e: {  	[tilespmem:s4], [sflag:$0x1] =	stream.indirect.gather @!p0 [hbm4b:s2+s8], $0x80, s1, s8, $0xb8;
	[tilespmem:$0x15C00] =	vst v63  }
0x2f: {  	_ =	swait.ge [sflag:s20], $0x4000  }
0x30: {  	[sflag:s20] =	ssyncset.done $0x0  }
0x31: {  	s0 =	simm.s32 @!p0 $0x7;
	[sflag:s20] =	ssyncadd.s32 $0xFFFFC000  }
0x32: {  	[hbm4b:s6+s3] =	stream.linear.scatter [tilespmem:s15], [sflag:$0x8], $0x4000, $0x38;
	[tilespmem:$0x15C00] =	vst v63  }
0x33: {  	_ =	swait.ge @!p0 [sflag:s0], $0x4000  }
0x34: {  	[sflag:s0] =	ssyncset.done @!p0 $0x0  }
0x35: {  	s1 =	simm.s32 @!p0 $0x300;
	s4 =	simm.s32 @!p0 $0x5C00;
	[sflag:s0] =	ssyncadd.s32 @!p0 $0xFFFFC000  }
0x36: {  	[tilespmem:s4], [sflag:$0x2] =	stream.indirect.gather @!p0 [hbm4b:s2+s8], $0x80, s1, s8, $0xb8;
	[tilespmem:$0x15C00] =	vst v63  }
0x37: {  	_ =	swait.ge [sflag:s21], $0x4000  }
0x38: {  	[sflag:s21] =	ssyncset.done $0x0  }
0x39: {  	s28 =	sadd.s32 $0x800, s6;
	s1 =	simm.s32 @!p0 $0x8;
	[sflag:s21] =	ssyncadd.s32 $0xFFFFC000  }
0x3a: {  	[hbm4b:s28+s3] =	stream.linear.scatter [tilespmem:s16], [sflag:$0x9], $0x4000, $0x38;
	[tilespmem:$0x15C00] =	vst v63  }
0x3b: {  	p1 =	por $0x0, $0x0;
	_ =	swait.ge @!p0 [sflag:s1], $0x4000  }
0x3c: {  	s31 =	sadd.s32 $0x2800, s6;
	s14 =	simm.s32 @!p0 $0x380;
	[sflag:s1] =	ssyncset.done @!p0 $0x0  }
0x3d: {  	s30 =	simm.s32 @!p0 $0x9C00;
	s0 =	simm.s32 $0xA00;
	[sflag:s1] =	ssyncadd.s32 @!p0 $0xFFFFC000  }
0x3e: {  	[tilespmem:s30], [sflag:$0x3] =	stream.indirect.gather @!p0 [hbm4b:s2+s8], $0x80, s14, s8, $0xb8;
	[tilespmem:$0x15C00] =	vst v63  }
0x3f: {  	s4 =	simm.s32 $0x1400;
	s1 =	sadd.s32 $0x2800, s7;
	s14 =	sadd.s32 $0x2800, s9  }
0x40: {  	s30 =	sadd.s32 $0x2800, s5;
	s8 =	smov.u32 s5;
	_ =	swait.ge [sflag:s22], $0x4000  }
.LBB2_2:
0x41: {  	s10 =	simm.s32 @!p1 $0x9  }
0x42: {  	[sflag:s22] =	ssyncset.done $0x0;
	s23 =	smov.u32 s4;
	s4 =	sadd.s32 $0xA00, s4  }
0x43: {  	p0 =	sne.s32 s4, $0x6400;
	[sflag:s22] =	ssyncadd.s32 $0xFFFFC000  }
0x44: {  	[hbm4b:s8+s3] =	stream.linear.scatter [tilespmem:s18], [sflag:$0xA], $0x4000, $0x38;
	[tilespmem:$0x15C00] =	vst v63  }
0x45: {  	s24 =	sshra.s32 s0, $0x2;
	s8 =	smov.u32 s30;
	_ =	swait.ge @!p1 [sflag:s10], $0x4000  }
0x46: {  	s25 =	sadd.s32 $0x180, s24;
	[sflag:s10] =	ssyncset.done @!p1 $0x0  }
0x47: {  	[sflag:s10] =	ssyncadd.s32 @!p1 $0xFFFFC000  }
0x48: {  	[tilespmem:s16], [sflag:$0x4] =	stream.indirect.gather [hbm4b:s2+s11], $0x80, s25, s11, $0xb8;
	[tilespmem:$0x15C00] =	vst v63  }
0x49: {  	_ =	swait.ge [sflag:s17], $0x4000  }
0x4a: {  	s10 =	simm.s32 @!p1 $0xA;
	[sflag:s17] =	ssyncset.done $0x0  }
0x4b: {  	[sflag:s17] =	ssyncadd.s32 $0xFFFFC000  }
0x4c: {  	[hbm4b:s14+s3] =	stream.linear.scatter [tilespmem:s12], [sflag:$0x6], $0x4000, $0x38;
	[tilespmem:$0x15C00] =	vst v63  }
0x4d: {  	_ =	swait.ge @!p1 [sflag:s10], $0x4000  }
0x4e: {  	s24 =	sadd.s32 $0x200, s24;
	[sflag:s10] =	ssyncset.done @!p1 $0x0  }
0x4f: {  	[sflag:s10] =	ssyncadd.s32 @!p1 $0xFFFFC000  }
0x50: {  	[tilespmem:s18], [sflag:$0x5] =	stream.indirect.gather [hbm4b:s2+s11], $0x80, s24, s11, $0xb8;
	[tilespmem:$0x15C00] =	vst v63  }
0x51: {  	_ =	swait.ge [sflag:s19], $0x4000  }
0x52: {  	p1 =	seq.s32 s0, $0x5A00;
	[sflag:s19] =	ssyncset.done $0x0  }
0x53: {  	s10 =	simm.s32 @!p1 $0x6;
	s0 =	sshra.s32 @!p1 s0, $0x2;
	[sflag:s19] =	ssyncadd.s32 $0xFFFFC000  }
0x54: {  	[hbm4b:s1+s3] =	stream.linear.scatter [tilespmem:s13], [sflag:$0x7], $0x4000, $0x38;
	[tilespmem:$0x15C00] =	vst v63  }
0x55: {  	s24 =	sadd.s32 @!p1 $0x280, s0;
	s25 =	sadd.s32 @!p1 $0x300, s0;
	_ =	swait.ge @!p1 [sflag:s10], $0x4000  }
0x56: {  	s26 =	simm.s32 @!p1 $0x80;
	s28 =	simm.s32 @!p1 $0x1C00;
	[sflag:s10] =	ssyncset.done @!p1 $0x0  }
0x57: {  	[sflag:s10] =	ssyncadd.s32 @!p1 $0xFFFFC000;
	s10 =	sadd.s32 @!p1 $0x380, s0;
	s0 =	smov.u32 s23  }
0x58: {  	[tilespmem:s28], [sflag:$0x1] =	stream.indirect.gather @!p1 [hbm4b:s2+s26], $0x80, s24, s26, $0xb8;
	[tilespmem:$0x15C00] =	vst v63  }
0x59: {  	_ =	swait.ge [sflag:s20], $0x4000  }
0x5a: {  	[sflag:s20] =	ssyncset.done $0x0  }
0x5b: {  	s23 =	simm.s32 @!p1 $0x7;
	[sflag:s20] =	ssyncadd.s32 $0xFFFFC000  }
0x5c: {  	[hbm4b:s31+s3] =	stream.linear.scatter [tilespmem:s15], [sflag:$0x8], $0x4000, $0x38;
	[tilespmem:$0x15C00] =	vst v63  }
0x5d: {  	_ =	swait.ge @!p1 [sflag:s23], $0x4000  }
0x5e: {  	s24 =	simm.s32 @!p1 $0x5C00;
	[sflag:s23] =	ssyncset.done @!p1 $0x0  }
0x5f: {  	[sflag:s23] =	ssyncadd.s32 @!p1 $0xFFFFC000  }
0x60: {  	[tilespmem:s24], [sflag:$0x2] =	stream.indirect.gather @!p1 [hbm4b:s2+s26], $0x80, s25, s26, $0xb8;
	[tilespmem:$0x15C00] =	vst v63  }
0x61: {  	_ =	swait.ge [sflag:s21], $0x4000  }
0x62: {  	s23 =	sadd.s32 $0x800, s31;
	[sflag:s21] =	ssyncset.done $0x0  }
0x63: {  	s24 =	simm.s32 @!p1 $0x8;
	[sflag:s21] =	ssyncadd.s32 $0xFFFFC000  }
0x64: {  	[hbm4b:s23+s3] =	stream.linear.scatter [tilespmem:s16], [sflag:$0x9], $0x4000, $0x38;
	[tilespmem:$0x15C00] =	vst v63  }
.Ltmp0:
0x65: {  	_ =	swait.ge @!p1 [sflag:s24], $0x4000;
	(pc) =	sbr.rel @p0 .LBB2_2-.Ltmp0, $4  }
0x66: {  	s14 =	sadd.s32 $0x2800, s14;
	s23 =	simm.s32 @!p1 $0x9C00;
	[sflag:s24] =	ssyncset.done @!p1 $0x0  }
0x67: {  	s30 =	sadd.s32 $0x2800, s30;
	s1 =	sadd.s32 $0x2800, s1;
	[sflag:s24] =	ssyncadd.s32 @!p1 $0xFFFFC000  }
0x68: {  	[tilespmem:s23], [sflag:$0x3] =	stream.indirect.gather @!p1 [hbm4b:s2+s26], $0x80, s10, s26, $0xb8;
	[tilespmem:$0x15C00] =	vst v63  }
0x69: {  	s31 =	sadd.s32 $0x2800, s31;
	p1 =	seq.s32 s0, $0x0;
	_ =	swait.ge [sflag:s22], $0x4000  }
0x6a: {  	[sflag:s22] =	ssyncset.done $0x0  }
0x6b: {  	s4 =	simm.s32 @!p1 $0x9;
	[sflag:s22] =	ssyncadd.s32 $0xFFFFC000  }
0x6c: {  	[hbm4b:s8+s3] =	stream.linear.scatter [tilespmem:s18], [sflag:$0xA], $0x4000, $0x38;
	[tilespmem:$0x15C00] =	vst v63  }
0x6d: {  	_ =	swait.ge @!p1 [sflag:s4], $0x4000  }
0x6e: {  	s28 =	sshra.s32 s0, $0x2;
	[sflag:s4] =	ssyncset.done @!p1 $0x0  }
0x6f: {  	s10 =	sadd.s32 $0x180, s28;
	[sflag:s4] =	ssyncadd.s32 @!p1 $0xFFFFC000  }
0x70: {  	[tilespmem:s16], [sflag:$0x4] =	stream.indirect.gather [hbm4b:s2+s11], $0x80, s10, s11, $0xb8;
	[tilespmem:$0x15C00] =	vst v63  }
0x71: {  	_ =	swait.ge [sflag:s17], $0x4000  }
0x72: {  	[sflag:s17] =	ssyncset.done $0x0  }
0x73: {  	s4 =	simm.s32 @!p1 $0xA;
	[sflag:s17] =	ssyncadd.s32 $0xFFFFC000  }
0x74: {  	[hbm4b:s14+s3] =	stream.linear.scatter [tilespmem:s12], [sflag:$0x6], $0x4000, $0x38;
	[tilespmem:$0x15C00] =	vst v63  }
0x75: {  	_ =	swait.ge @!p1 [sflag:s4], $0x4000  }
0x76: {  	[sflag:s4] =	ssyncset.done @!p1 $0x0  }
0x77: {  	s8 =	sadd.s32 $0x200, s28;
	[sflag:s4] =	ssyncadd.s32 @!p1 $0xFFFFC000  }
0x78: {  	[tilespmem:s18], [sflag:$0x5] =	stream.indirect.gather [hbm4b:s2+s11], $0x80, s8, s11, $0xb8;
	[tilespmem:$0x15C00] =	vst v63  }
0x79: {  	_ =	swait.ge [sflag:s19], $0x4000  }
0x7a: {  	p0 =	seq.s32 s0, $0x5A00;
	[sflag:s19] =	ssyncset.done $0x0  }
0x7b: {  	s4 =	simm.s32 @!p0 $0x6;
	[sflag:s19] =	ssyncadd.s32 $0xFFFFC000  }
0x7c: {  	[hbm4b:s1+s3] =	stream.linear.scatter [tilespmem:s13], [sflag:$0x7], $0x4000, $0x38;
	[tilespmem:$0x15C00] =	vst v63  }
0x7d: {  	_ =	swait.ge @!p0 [sflag:s4], $0x4000  }
0x7e: {  	s0 =	sshra.s32 @!p0 s0, $0x2;
	s8 =	simm.s32 @!p0 $0x80;
	[sflag:s4] =	ssyncset.done @!p0 $0x0  }
0x7f: {  	s1 =	sadd.s32 @!p0 $0x280, s0;
	[sflag:s4] =	ssyncadd.s32 @!p0 $0xFFFFC000;
	s4 =	simm.s32 @!p0 $0x1C00  }
0x80: {  	[tilespmem:s4], [sflag:$0x1] =	stream.indirect.gather @!p0 [hbm4b:s2+s8], $0x80, s1, s8, $0xb8;
	[tilespmem:$0x15C00] =	vst v63  }
0x81: {  	_ =	swait.ge [sflag:s20], $0x4000  }
0x82: {  	[sflag:s20] =	ssyncset.done $0x0  }
0x83: {  	s1 =	simm.s32 @!p0 $0x7;
	[sflag:s20] =	ssyncadd.s32 $0xFFFFC000  }
0x84: {  	[hbm4b:s31+s3] =	stream.linear.scatter [tilespmem:s15], [sflag:$0x8], $0x4000, $0x38;
	[tilespmem:$0x15C00] =	vst v63  }
0x85: {  	_ =	swait.ge @!p0 [sflag:s1], $0x4000  }
0x86: {  	[sflag:s1] =	ssyncset.done @!p0 $0x0  }
0x87: {  	s4 =	sadd.s32 @!p0 $0x300, s0;
	[sflag:s1] =	ssyncadd.s32 @!p0 $0xFFFFC000;
	s1 =	simm.s32 @!p0 $0x5C00  }
0x88: {  	[tilespmem:s1], [sflag:$0x2] =	stream.indirect.gather @!p0 [hbm4b:s2+s8], $0x80, s4, s8, $0xb8;
	[tilespmem:$0x15C00] =	vst v63  }
0x89: {  	_ =	swait.ge [sflag:s21], $0x4000  }
0x8a: {  	[sflag:s21] =	ssyncset.done $0x0  }
0x8b: {  	s23 =	sadd.s32 $0x800, s31;
	s1 =	simm.s32 @!p0 $0x8;
	[sflag:s21] =	ssyncadd.s32 $0xFFFFC000  }
0x8c: {  	[hbm4b:s23+s3] =	stream.linear.scatter [tilespmem:s16], [sflag:$0x9], $0x4000, $0x38;
	[tilespmem:$0x15C00] =	vst v63  }
0x8d: {  	_ =	swait.ge @!p0 [sflag:s1], $0x4000  }
0x8e: {  	[sflag:s1] =	ssyncset.done @!p0 $0x0  }
0x8f: {  	s0 =	sadd.s32 @!p0 $0x380, s0;
	[sflag:s1] =	ssyncadd.s32 @!p0 $0xFFFFC000;
	s1 =	simm.s32 @!p0 $0x9C00  }
0x90: {  	[tilespmem:s1], [sflag:$0x3] =	stream.indirect.gather @!p0 [hbm4b:s2+s8], $0x80, s0, s8, $0xb8;
	[tilespmem:$0x15C00] =	vst v63  }
0x91: {  	_ =	swait.ge [sflag:s22], $0x4000  }
0x92: {  	[sflag:s22] =	ssyncset.done $0x0  }
0x93: {  	s24 =	simm.s32 $0x6;
	[sflag:s22] =	ssyncadd.s32 $0xFFFFC000  }
0x94: {  	[hbm4b:s30+s3] =	stream.linear.scatter [tilespmem:s18], [sflag:$0xA], $0x4000, $0x38;
	[tilespmem:$0x15C00] =	vst v63  }
0x95: {  	_ =	swait.ge [sflag:s24], $0x4000  }
0x96: {  	[sflag:s24] =	ssyncset.done $0x0  }
0x97: {  	s25 =	simm.s32 $0x7;
	[sflag:s24] =	ssyncadd.s32 $0xFFFFC000  }
0x98: {  	_ =	swait.ge [sflag:s25], $0x4000  }
0x99: {  	[sflag:s25] =	ssyncset.done $0x0  }
0x9a: {  	s26 =	simm.s32 $0x8;
	[sflag:s25] =	ssyncadd.s32 $0xFFFFC000  }
0x9b: {  	_ =	swait.ge [sflag:s26], $0x4000  }
0x9c: {  	[sflag:s26] =	ssyncset.done $0x0  }
0x9d: {  	s28 =	simm.s32 $0x9;
	[sflag:s26] =	ssyncadd.s32 $0xFFFFC000  }
0x9e: {  	_ =	swait.ge [sflag:s28], $0x4000  }
0x9f: {  	[sflag:s28] =	ssyncset.done $0x0  }
0xa0: {  	s30 =	simm.s32 $0xA;
	[sflag:s28] =	ssyncadd.s32 $0xFFFFC000  }
0xa1: {  	_ =	swait.ge [sflag:s30], $0x4000  }
0xa2: {  	s29 =	sadd.s32 $0x1, s29;
	s31 =	rddreg [dreg:$0x5]  }
0xa3: {  	p0 =	sne.s32 s29, s31  }
.Ltmp1:
0xa4: {  	_ = 	snop;
	(pc) =	sbr.rel @p0 .LBB2_1-.Ltmp1, $3  }
0xa5: {  	_ =	sdelay $0x1  }
0xa6: {  	[sflag:s30] =	ssyncset.done $0x0  }
0xa7: {  	[sflag:s30] =	ssyncadd.s32 $0xFFFFC000  }
0xa8: {  	_ =	sfence.sel $0x180000  }
0xa9: {  	[bflag:$0x0] =	sbarrier.arrive $0xFFFF  }
0xaa: {  	_ =	strace $0x90000047  }
0xab: {  	s0 =	stileid.u32;
	[bflag:$0x2] =	sbarrier.arrive $0xFFFF  }
0xac: {  	p0 =	sne.s32 s0, $0x0;
	s0 =	rddreg [dreg:$0x3]  }
0xad: {  	s0 =	sadd.s32 @!p0 $0x100000, s0  }
0xae: {  	[sflag:s0] =	ssyncadd.tile.s32 @!p0 $0x1;
	_ =	shalt  }
.Lfunc_end2:
_tile_overlayer_lowered:
.L_overlay_start_2:
0xaf: {  	(tag) =	ssettag $0x2  }
0xb0: {  	s0 =	rddreg [dreg:$0x0];
	s2 =	stileid.u32  }
0xb1: {  	s1 =	rddreg [dreg:$0x1];
	p0 =	sne.s32 s2, $0x0  }
0xb2: {  	s3 =	rddreg [dreg:$0x2];
	[bflag:$0x3] =	sbarrier.arrive $0xFFFF;
	s2 =	simm.s32 @!p0 $0x1C0B  }
0xb3: {  	[timem:s3], [sflag:s2] =	dma.local @!p0 [hbm:s0], s1  }
0xb4: {  	s0 =	simm.s32 @!p0 $0xB  }
0xb5: {  	_ =	swait.ge @!p0 [sflag:s0], s1  }
0xb6: {  	s1 =	ssub.s32 @!p0 $0x0, s1;
	[sflag:s0] =	ssyncset.done @!p0 $0x0  }
0xb7: {  	[sflag:s0] =	ssyncadd.s32 @!p0 s1  }
0xb8: {  	[bflag:$0x3] =	sbarrier.arrive $0xFFFF  }
0xb9: {  	_ =	shalt  }

</sc_bundles>
